<compile_context>
chip_gen: v7x
topology: tpu7x:2x2x1
jax: 0.10.2.dev20260603
libtpu: 0.0.44.dev20260713+nightly
codegen_flags: <defaults>
</compile_context>

<pallas_src>
import jax
import jax.numpy as jnp
from jax.experimental import pallas as pl

TEXT_DIM = 512
NUM_CLASSES = 20
KPAD = 32
OUT_H = 128
OUT_W = 256
IN_W = 512
ROWS_PER_STEP = 8


def _emb_kernel(seg_ref, et_ref, sel_ref, out_ref):
    rows = seg_ref[0, :, 0:IN_W].astype(jnp.float32)
    rowds = jax.lax.dot_general(
        rows, sel_ref[...], (((1,), (0,)), ((), ())),
        preferred_element_type=jnp.float32)
    rid = rowds.astype(jnp.int32)
    kio = jax.lax.broadcasted_iota(jnp.int32, (KPAD, OUT_W), 0)
    oh = jnp.concatenate(
        [(kio == rid[r:r + 1, :]) for r in range(ROWS_PER_STEP)],
        axis=1).astype(jnp.float32)
    out_ref[0, :, :] = jax.lax.dot_general(
        et_ref[...], oh, (((1,), (0,)), ((), ())),
        preferred_element_type=jnp.float32)


@jax.jit
def kernel(seg_map, class_embeddings):
    bs = seg_map.shape[0]
    seg_r = seg_map.reshape(bs, OUT_H, 2 * IN_W)
    et = jnp.zeros((TEXT_DIM, KPAD), jnp.float32)
    et = et.at[:, :NUM_CLASSES].set(class_embeddings.T)
    sel = (jax.lax.broadcasted_iota(jnp.int32, (IN_W, OUT_W), 0)
           == 2 * jax.lax.broadcasted_iota(jnp.int32, (IN_W, OUT_W), 1)
           ).astype(jnp.float32)
    grid = (bs, OUT_H // ROWS_PER_STEP)
    out = pl.pallas_call(
        _emb_kernel,
        grid=grid,
        in_specs=[
            pl.BlockSpec((1, ROWS_PER_STEP, 2 * IN_W), lambda b, i: (b, i, 0)),
            pl.BlockSpec((TEXT_DIM, KPAD), lambda b, i: (0, 0)),
            pl.BlockSpec((IN_W, OUT_W), lambda b, i: (0, 0)),
        ],
        out_specs=pl.BlockSpec(
            (1, TEXT_DIM, ROWS_PER_STEP * OUT_W), lambda b, i: (b, 0, i)),
        out_shape=jax.ShapeDtypeStruct(
            (bs, TEXT_DIM, OUT_H * OUT_W), jnp.float32),
    )(seg_r, et, sel)
    return out.reshape(bs, TEXT_DIM, OUT_H, OUT_W)

# --- scband reference (transcript-rebuilt; emitter-appended) ---
"""Pipeline reference for scband-class-embedding-manager-3324304687193 (READ-ONLY COPY).

The authoritative reference and input builder live on the scoring server;
editing this copy changes nothing except your own understanding.
"""

import jax, jax.numpy as jnp
import numpy as np

TEXT_DIM = 512
NUM_CLASSES = 20
RESIZE_H = 128


def setup_inputs(seed: int = 0) -> dict:
    key = jax.random.key(seed)
    k1, k2 = jax.random.split(key)
    seg_map = jax.random.randint(k1, (2, 1, 256, 512), 0, NUM_CLASSES, dtype=jnp.int32)
    class_embeddings = jax.random.normal(k2, (NUM_CLASSES, TEXT_DIM), dtype=jnp.float32)
    return {"seg_map": seg_map, "class_embeddings": class_embeddings}


def reference(seg_map, class_embeddings):
    bs, _, h, w = seg_map.shape
    c = class_embeddings.shape[1]
    # rearrange 'b 1 h w -> (b h w)' then index_select on the embedding table
    flat_idx = seg_map.reshape(-1)
    seg_emb = jnp.take(class_embeddings, flat_idx, axis=0)  # (b*h*w, c)
    # rearrange '(bs h w) c -> bs c h w'
    seg_emb = seg_emb.reshape(bs, h, w, c).transpose(0, 3, 1, 2)
    # F.interpolate(..., mode='nearest'): src = floor(dst * in/out)
    scale_factor = h // RESIZE_H
    out_w = w // scale_factor
    out_h = RESIZE_H
    row_idx = (jnp.arange(out_h) * h) // out_h
    col_idx = (jnp.arange(out_w) * w) // out_w
    seg_emb = seg_emb[:, :, row_idx, :][:, :, :, col_idx]
    return seg_emb

if __name__ == "__main__":
    import jax
    _d = setup_inputs()
    print(jax.jit(kernel)(*tuple(_d.values())))

</pallas_src>

<mosaic_0001>
module attributes {stable_mosaic.version = 14 : i64} {
  func.func @_emb_kernel(%arg0: i32, %arg1: i32, %arg2: memref<1x8x1024xi32, #tpu.memory_space<vmem>>, %arg3: memref<512x32xf32, #tpu.memory_space<vmem>>, %arg4: memref<512x256xf32, #tpu.memory_space<vmem>>, %arg5: memref<1x512x2048xf32, #tpu.memory_space<vmem>>) attributes {dimension_semantics = [#tpu.dimension_semantics<arbitrary>, #tpu.dimension_semantics<arbitrary>], iteration_bounds = array<i64: 2, 16>, scalar_prefetch = 0 : i64, scratch_operands = 0 : i64, tpu.core_type = #tpu.core_type<tc>, window_params = [{transform_indices = @transform_0, window_bounds = array<i64: 1, 8, 1024>}, {pipeline_mode = #tpu.pipeline_mode<synchronous>, transform_indices = @transform_1, window_bounds = array<i64: 512, 32>}, {pipeline_mode = #tpu.pipeline_mode<synchronous>, transform_indices = @transform_2, window_bounds = array<i64: 512, 256>}, {transform_indices = @transform_3, window_bounds = array<i64: 1, 512, 2048>}]} {
    %get3A = arith.constant 0 : index
    %get3A_0 = arith.constant 0 : index
    %get3A_1 = arith.constant 0 : index
    %get3A_2 = vector.load %arg2[%get3A, %get3A_0, %get3A_1] : memref<1x8x1024xi32, #tpu.memory_space<vmem>>, vector<1x8x512xi32>
    %get3A_3 = vector.shape_cast %get3A_2 : vector<1x8x512xi32> to vector<8x512xi32>
    %convert_element_type3A = arith.sitofp %get3A_3 : vector<8x512xi32> to vector<8x512xf32>
    %get3A_4 = arith.constant 0 : index
    %get3A_5 = arith.constant 0 : index
    %get3A_6 = vector.load %arg4[%get3A_4, %get3A_5] : memref<512x256xf32, #tpu.memory_space<vmem>>, vector<512x256xf32>
    %dot_general3A = arith.constant dense<0.000000e+00> : vector<8x256xf32>
    %dot_general3A_7 = tpu.matmul %convert_element_type3A, %get3A_6, %dot_general3A {dimension_numbers = #tpu.dot_dimension_numbers<[1], [0], [0], [1], [0, 0, 1, 1], [], []>, transpose_lhs_hint = false} : vector<8x512xf32>, vector<512x256xf32>, vector<8x256xf32> -> vector<8x256xf32>
    %convert_element_type3A_8 = arith.fptosi %dot_general3A_7 : vector<8x256xf32> to vector<8x256xi32>
    %iota3A = tpu.iota {dimensions = array<i32: 0>} : vector<32x256xi32>
    %slice3A = vector.extract_strided_slice %convert_element_type3A_8 {offsets = [0, 0], sizes = [1, 256], strides = [1, 1]} : vector<8x256xi32> to vector<1x256xi32>
    %eq3A = vector.broadcast %slice3A : vector<1x256xi32> to vector<32x256xi32>
    %eq3A_9 = arith.cmpi eq, %iota3A, %eq3A : vector<32x256xi32>
    %slice3A_10 = vector.extract_strided_slice %convert_element_type3A_8 {offsets = [1, 0], sizes = [1, 256], strides = [1, 1]} : vector<8x256xi32> to vector<1x256xi32>
    %eq3A_11 = vector.broadcast %slice3A_10 : vector<1x256xi32> to vector<32x256xi32>
    %eq3A_12 = arith.cmpi eq, %iota3A, %eq3A_11 : vector<32x256xi32>
    %slice3A_13 = vector.extract_strided_slice %convert_element_type3A_8 {offsets = [2, 0], sizes = [1, 256], strides = [1, 1]} : vector<8x256xi32> to vector<1x256xi32>
    %eq3A_14 = vector.broadcast %slice3A_13 : vector<1x256xi32> to vector<32x256xi32>
    %eq3A_15 = arith.cmpi eq, %iota3A, %eq3A_14 : vector<32x256xi32>
    %slice3A_16 = vector.extract_strided_slice %convert_element_type3A_8 {offsets = [3, 0], sizes = [1, 256], strides = [1, 1]} : vector<8x256xi32> to vector<1x256xi32>
    %eq3A_17 = vector.broadcast %slice3A_16 : vector<1x256xi32> to vector<32x256xi32>
    %eq3A_18 = arith.cmpi eq, %iota3A, %eq3A_17 : vector<32x256xi32>
    %slice3A_19 = vector.extract_strided_slice %convert_element_type3A_8 {offsets = [4, 0], sizes = [1, 256], strides = [1, 1]} : vector<8x256xi32> to vector<1x256xi32>
    %eq3A_20 = vector.broadcast %slice3A_19 : vector<1x256xi32> to vector<32x256xi32>
    %eq3A_21 = arith.cmpi eq, %iota3A, %eq3A_20 : vector<32x256xi32>
    %slice3A_22 = vector.extract_strided_slice %convert_element_type3A_8 {offsets = [5, 0], sizes = [1, 256], strides = [1, 1]} : vector<8x256xi32> to vector<1x256xi32>
    %eq3A_23 = vector.broadcast %slice3A_22 : vector<1x256xi32> to vector<32x256xi32>
    %eq3A_24 = arith.cmpi eq, %iota3A, %eq3A_23 : vector<32x256xi32>
    %slice3A_25 = vector.extract_strided_slice %convert_element_type3A_8 {offsets = [6, 0], sizes = [1, 256], strides = [1, 1]} : vector<8x256xi32> to vector<1x256xi32>
    %eq3A_26 = vector.broadcast %slice3A_25 : vector<1x256xi32> to vector<32x256xi32>
    %eq3A_27 = arith.cmpi eq, %iota3A, %eq3A_26 : vector<32x256xi32>
    %slice3A_28 = vector.extract_strided_slice %convert_element_type3A_8 {offsets = [7, 0], sizes = [1, 256], strides = [1, 1]} : vector<8x256xi32> to vector<1x256xi32>
    %eq3A_29 = vector.broadcast %slice3A_28 : vector<1x256xi32> to vector<32x256xi32>
    %eq3A_30 = arith.cmpi eq, %iota3A, %eq3A_29 : vector<32x256xi32>
    %concatenate3A = tpu.concatenate %eq3A_9, %eq3A_12, %eq3A_15, %eq3A_18, %eq3A_21, %eq3A_24, %eq3A_27, %eq3A_30 in 1 : vector<32x256xi1>, vector<32x256xi1>, vector<32x256xi1>, vector<32x256xi1>, vector<32x256xi1>, vector<32x256xi1>, vector<32x256xi1>, vector<32x256xi1> -> vector<32x2048xi1>
    %convert_element_type3A_31 = arith.extui %concatenate3A : vector<32x2048xi1> to vector<32x2048xi32>
    %convert_element_type3A_32 = arith.sitofp %convert_element_type3A_31 : vector<32x2048xi32> to vector<32x2048xf32>
    %get3A_33 = arith.constant 0 : index
    %get3A_34 = arith.constant 0 : index
    %get3A_35 = vector.load %arg3[%get3A_33, %get3A_34] : memref<512x32xf32, #tpu.memory_space<vmem>>, vector<512x32xf32>
    %dot_general3A_36 = arith.constant dense<0.000000e+00> : vector<512x2048xf32>
    %dot_general3A_37 = tpu.matmul %get3A_35, %convert_element_type3A_32, %dot_general3A_36 {dimension_numbers = #tpu.dot_dimension_numbers<[1], [0], [0], [1], [0, 0, 1, 1], [], []>, transpose_lhs_hint = false} : vector<512x32xf32>, vector<32x2048xf32>, vector<512x2048xf32> -> vector<512x2048xf32>
    %swap3A = arith.constant 0 : index
    %swap3A_38 = arith.constant 0 : index
    %swap3A_39 = arith.constant 0 : index
    %swap3A_40 = vector.load %arg5[%swap3A, %swap3A_38, %swap3A_39] : memref<1x512x2048xf32, #tpu.memory_space<vmem>>, vector<1x512x2048xf32>
    %swap3A_41 = vector.shape_cast %swap3A_40 : vector<1x512x2048xf32> to vector<512x2048xf32>
    %swap3A_42 = vector.shape_cast %dot_general3A_37 : vector<512x2048xf32> to vector<1x512x2048xf32>
    tpu.vector_store %arg5[%swap3A, %swap3A_38, %swap3A_39], %swap3A_42 {strides = array<i32>} : memref<1x512x2048xf32, #tpu.memory_space<vmem>>, vector<1x512x2048xf32>,
    return
  }
  func.func @transform_0(%arg0: i32, %arg1: i32) -> (i32, i32, i32) {
    %c0_i32 = arith.constant 0 : i32
    %c0_i32_0 = arith.constant 0 : i32
    return %arg0, %arg1, %c0_i32 : i32, i32, i32
  }
  func.func @transform_1(%arg0: i32, %arg1: i32) -> (i32, i32) {
    %c0_i32 = arith.constant 0 : i32
    %c0_i32_0 = arith.constant 0 : i32
    %c0_i32_1 = arith.constant 0 : i32
    return %c0_i32, %c0_i32_0 : i32, i32
  }
  func.func @transform_2(%arg0: i32, %arg1: i32) -> (i32, i32) {
    %c0_i32 = arith.constant 0 : i32
    %c0_i32_0 = arith.constant 0 : i32
    %c0_i32_1 = arith.constant 0 : i32
    return %c0_i32, %c0_i32_0 : i32, i32
  }
  func.func @transform_3(%arg0: i32, %arg1: i32) -> (i32, i32, i32) {
    %c0_i32 = arith.constant 0 : i32
    %c0_i32_0 = arith.constant 0 : i32
    return %arg0, %c0_i32, %arg1 : i32, i32, i32
  }
}

</mosaic_0001>

<sc_bundles>
// kernel: sparse-core-data-format-call.cloned.1.call-start
scs
called_computation_lowered:
.L_overlay_start_0:
0x0: {  	s2 =	sld [smem:$0x3FD9]  }
0x1: {  	s3 =	sld [smem:$0x3FFE];
	_ =	sdelay $0x1  }
0x2: {  	s1 =	srdreg.scid  }
0x3: {  	s0 =	sand.u32 $0x1, s1  }
0x4: {  	s18 =	sshll.u32 s0, $0xA;
	s2 =	sadd.s32 s3, s2  }
0x5: {  	s2 =	sadd.s32 s2, s18  }
0x6: {  	[smem:$0x3FC6] =	sst s2  }
0x7: {  	_ = 	snop  }
0x8: {  	s2 =	sld [smem:$0x3FD0];
	(tm) =	ssettm $0x1  }
0x9: {  	s19 =	sld [smem:$0x3FFB];
	_ =	sdelay $0x3  }
0xa: {  	_ =	strace s19  }
0xb: {  	s3 =	sld [smem:$0x3FFC];
	_ =	sdelay $0x3  }
0xc: {  	_ =	strace s3  }
0xd: {  	s3 =	sld [smem:$0x3FFD];
	_ =	sdelay $0x3  }
0xe: {  	_ =	strace s3  }
0xf: {  	_ =	strace $0x8FFFFFFF  }
0x10: {  	s20 =	sld [smem:$0x3FDB];
	_ =	sdelay $0x1  }
0x11: {  	s4 =	simm.s32 $_scs_section_size  }
0x12: {  	s5 =	simm.s32 $_size__tile_overlayer_lowered;
	s6 =	simm.s32 $_tile_overlayer_lowered  }
0x13: {  	s23 =	simm.s32 $0x1BFF;
	s22 =	sshll.u32 s6, $0x1;
	s3 =	sadd.s32 s4, s20  }
0x14: {  	s7 =	simm.s32 $0x0;
	s21 =	sshll.u32 s5, $0x1;
	s5 =	sadd.s32 s22, s3  }
0x15: {  	[timem:s7], [sflag:s23] =	dma.local [hbm:s5], s21  }
0x16: {  	_ =	swait.ge [sflag:s23], s21  }
0x17: {  	s4 =	ssub.s32 $0x0, s21;
	[sflag:s23] =	ssyncset.done $0x0  }
0x18: {  	[sflag:s23] =	ssyncadd.s32 s4;
	_ =	sdelay $0x1  }
0x19: {  	s24 =	simm.s32 $0x1B8B  }
0x1a: {  	_ =	swait.ge [sflag:s24], $0x1  }
0x1b: {  	[sflag:s24] =	ssyncset.done $0x0  }
0x1c: {  	s26 =	simm.s32 $0x1B8E;
	s25 =	sld [smem:$0x3FFE];
	[sflag:s24] =	ssyncadd.s32 $0xFFFFFFFF  }
0x1d: {  	s27 =	simm.s32 $execute0_lowered;
	[smem:$0x3FD2] =	sst s26  }
0x1e: {  	s5 =	sshll.u32 s27, $0x1;
	_ =	strace $0x80000046;
	[dreg:$0x1] =	wrdreg $0xFFFFFFFF  }
0x1f: {  	s28 =	simm.s32 $_size_execute0_lowered;
	s3 =	sadd.s32 s3, s5;
	[dreg:$0x0] =	wrdreg $0x0  }
0x20: {  	s5 =	sshll.u32 s28, $0x1;
	[dreg:$0x2] =	wrdreg s3  }
0x21: {  	[dreg:$0x3] =	wrdreg s5  }
0x22: {  	[dreg:$0x4] =	wrdreg $0xC0  }
0x23: {  	_ =	task [dreg:s7], $0x5FFFF  }
0x24: {  	[dreg:$0x1] =	wrdreg $0xFFFFFFFF  }
0x25: {  	[dreg:$0x0] =	wrdreg $0x60  }
0x26: {  	[dreg:$0x2] =	wrdreg s25  }
0x27: {  	[dreg:$0x3] =	wrdreg s2  }
0x28: {  	[dreg:$0x4] =	wrdreg $0x9  }
0x29: {  	_ =	task.clear_ibuf [dreg:s7], $0x5FFFF;
	_ =	strace $0x90000046  }
0x2a: {  	s29 =	simm.s32 $0x9;
	_ =	strace $0x80000048  }
0x2b: {  	_ =	swait.ge [sflag:s29], $0x1  }
0x2c: {  	[sflag:s29] =	ssyncadd.s32 $0xFFFFFFFF  }
0x2d: {  	_ =	strace $0x90000048  }
0x2e: {  	_ =	sfence  }
0x2f: {  	s30 =	sld [smem:$0x0];
	_ =	sdelay $0x2  }
0x30: {  	s31 =	sshll.u32 s1, $0xD;
	s1 =	sshrl.u32 s1, $0x2  }
0x31: {  	s3 =	sand.u32 $0x4000, s31;
	s1 =	sadd.s32 s1, s30  }
0x32: {  	s0 =	sor.u32 s3, s0;
	s1 =	sshll.u32 s1, $0x11  }
0x33: {  	s0 =	sor.u32 s1, s0  }
0x34: {  	s0 =	sadd.s32 $0x8F2B, s0  }
0x35: {  	[sflag:s0] =	ssyncadd.remote.s32 $0x1  }
0x36: {  	_ =	sfence.sel $0xFFFF  }
0x37: {  	[dreg:$0x0] =	wrdreg $0xFFFFFFFF;
	(pc) =	sbr.abs _section_cstart, $3  }
0x38: {  	[dreg:$0x1] =	wrdreg $0xFFFFFFFF  }
0x39: {  	_ =	task.clear_ibuf [dreg:s7], $0x2FFFF;
	_ =	strace $0x9FFFFFFF  }
0x3a: {  	(tm) =	ssettm $0x7FFFFFFF  }
0x3b: {  	_ =	shalt  }
tec
execute0_lowered:
.L_overlay_start_1:
0x0: {  	(tag) =	ssettag $0x1  }
0x1: {  	s2 =	rddreg [dreg:$0x0]  }
0x2: {  	s3 =	rddreg [dreg:$0x1]  }
0x3: {  	s0 =	rddreg [dreg:$0x2];
	_ =	strace $0x80000047;
	s4 =	srdreg.scid  }
0x4: {  	s1 =	stileid.u32;
	s6 =	simm.s32 $0x2;
	s11 =	simm.s32 $0x0  }
.Ltmp0:
0x5: {  	p0 =	por $0x0, $0x0;
	s7 =	simm.s32 $0x8000;
	(pc) =	sbr.rel .LBB1_1-.Ltmp0, $4  }
0x6: {  	s12 =	simm.s32 $0x0;
	s9 =	simm.s32 $0x0;
	s5 =	sshll.u32 s4, $0x4  }
0x7: {  	s8 =	simm.s32 $0x0;
	s4 =	simm.s32 $0x1;
	s5 =	sand.u32 $0x10, s5  }
0x8: {  	s18 =	simm.s32 $0x0;
	[sflag:s4] =	ssyncpa.u1 $0x0;
	s5 =	sor.u32 s1, s5  }
0x9: {  	[sflag:s6] =	ssyncpa.u1 $0x0;
	s6 =	simm.s32 $0x800;
	s10 =	smov.u32 s5  }
.LBB1_7:
0xa: {  	s13 =	sadd.s32 $0x8, s9  }
0xb: {  	s11 =	sadd.s32 $0x20, s10;
	s15 =	smov.u32 s10;
	p2 =	sgt.s32 s13, $0x7F  }
0xc: {  	p1 =	slt.u32 s8, $0x2;
	s15 =	smov.u32 @p2 s11  }
0xd: {  	s8 =	sadd.s32 $0x1, s8;
	s13 =	simm.s32 @p2 $0x0;
	p2 =	sgt.s32 s15, $0x7F  }
0xe: {  	s15 =	smov.u32 @p2 s5;
	p2 =	sne.s32 s8, $0x42  }
.Ltmp1:
0xf: {  	_ = 	snop;
	(pc) =	sbr.rel @!p2 .LBB1_8-.Ltmp1, $4  }
0x10: {  	s14 =	simm.s32 @!p1 $0x2  }
0x11: {  	s12 =	smov.u32 s10;
	_ =	swait.ge @!p1 [sflag:s14], $0x4000  }
0x12: {  	p0 =	por !p0, !p0;
	s11 =	smov.u32 s9;
	[sflag:s14] =	ssyncset.done @!p1 $0x0  }
0x13: {  	s9 =	smov.u32 s13;
	[sflag:s14] =	ssyncadd.s32 @!p1 $0xFFFFC000;
	s10 =	smov.u32 s15  }
.LBB1_1:
0x14: {  	p1 =	sgt.u32 s8, $0x3F  }
0x15: {  	s13 =	sxor.u32 @!p1 $0xFFFFFFFF, s8;
	s14 =	sshll.u32 @!p1 s10, $0xF  }
0x16: {  	s15 =	sshll.u32 @!p1 s9, $0x8;
	s13 =	sshll.u32 @!p1 s13, $0xE;
	s14 =	sadd.s32 @!p1 s2, s14  }
0x17: {  	s13 =	sand.u32 @!p1 $0x4000, s13;
	s14 =	sadd.s32 @!p1 s15, s14;
	s15 =	simm.s32 @!p1 $0x0  }
0x18: {  	[tilespmem:s13], [sflag:$0x1] =	stream.linear.gather @!p1 [hbm4b:s14+s15], $0x4000, $0x38;
	[tilespmem:$0x10000] =	vst v63  }
0x19: {  	p1 =	seq.s32 s8, $0x0  }
0x1a: {  	p2 =	seq.s32 @!p1 s8, $0x41  }
0x1b: {  	p1 =	por p1, p2  }
.Ltmp2:
0x1c: {  	_ = 	snop;
	(pc) =	sbr.rel @p1 .LBB1_7-.Ltmp2, $1  }
0x1d: {  	_ =	sdelay $0x3  }
0x1e: {  	s13 =	simm.s32 $0x1  }
0x1f: {  	_ =	swait.ge [sflag:s4], $0x4000;
	s31 =	sshll.u32 s8, $0xE;
	p1 =	por $0x0, $0x0  }
0x20: {  	s19 =	simm.s32 $0x0;
	s20 =	simm.s32 $0x0;
	s13 =	simm.s32 @!p0 $0x0  }
0x21: {  	[sflag:s4] =	ssyncset.done $0x0;
	s16 =	sand.u32 $0x4000, s31;
	s13 =	sshll.u32 s13, $0x10  }
0x22: {  	[sflag:s4] =	ssyncadd.s32 $0xFFFFC000;
	s17 =	sshrl.u32 s13, $0x2;
	s13 =	sor.u32 $0x8000, s16  }
0x23: {  	s14 =	sor.u32 $0x40, s17;
	s15 =	sor.u32 $0x8410, s17;
	s17 =	sadd.s32 $0x8400, s17  }
.LBB1_3:
0x24: {  	v1 =	vld [tilespmem:s14+$0xFFFFFFD0]  }
0x25: {  	v2 =	vld [tilespmem:s14+$0x430]  }
0x26: {  	s21 =	sshll.u32 s20, $0xB;
	v4 =	vld [tilespmem:s14+$0xFFFFFFE0]  }
0x27: {  	v7 =	vld [tilespmem:s14+$0xFFFFFFF0];
	v0 =	vmov s21  }
0x28: {  	v8 =	vld [tilespmem:s14+$0x0]  }
0x29: {  	s30 =	sand.u32 $0x300, s18;
	v9 =	vld [tilespmem:s14+$0x10]  }
0x2a: {  	s22 =	sand.u32 $0x80, s18;
	v10 =	vld [tilespmem:s14+$0x20];
	s21 =	sadd.s32 s30, s16  }
0x2b: {  	v11 =	vld [tilespmem:s14+$0x30];
	s21 =	sadd.s32 s22, s21;
	s22 =	simm.s32 $0x1;
	[tilespmem:s15+$0x60] =	vst v2  }
0x2c: {  	s31 =	sshll.u32 s19, $0x2;
	s22 =	simm.s32 @!p1 $0x0;
	[tilespmem:s15+$0xFFFFFC00] =	vst v1;
	v3 =	vld.idx.msk [tilespmem:v0+s21+$0x400 ss:$0x1], $0xffff  }
0x2d: {  	v6 =	vld [tilespmem:s14+$0x3D0];
	s22 =	sshll.u32 s22, $0x9;
	[tilespmem:s15+$0xFFFFFC10] =	vst v4;
	s21 =	sand.u32 $0xFFFFFC00, s31  }
0x2e: {  	v5 =	vld [tilespmem:s14+$0x3E0];
	[tilespmem:s15+$0xFFFFFC20] =	vst v7;
	s21 =	sor.u32 s22, s21  }
0x2f: {  	[tilespmem:s15+$0xFFFFFC30] =	vst v8;
	v4 =	vld [tilespmem:s14+$0x400];
	s21 =	sshrl.u32 s21, $0x2  }
0x30: {  	[tilespmem:s15+$0xFFFFFC40] =	vst v9;
	v1 =	vld [tilespmem:s14+$0x410];
	s21 =	sadd.s32 s21, s17  }
0x31: {  	[tilespmem:s21+$0x0] =	vst v3;
	v3 =	vld [tilespmem:s14+$0x3F0]  }
0x32: {  	s25 =	simm.s32 $0x80;
	s24 =	simm.s32 $0x100;
	[tilespmem:s15+$0xFFFFFC50] =	vst v10;
	v2 =	vld [tilespmem:s14+$0x420]  }
0x33: {  	s23 =	smov.u32 s15;
	s26 =	sand.u32 $0x300, s25;
	v7 =	vld [tilespmem:s14+$0xFFFFFFC0];
	[tilespmem:s15+$0xFFFFFC60] =	vst v11;
	s22 =	sadd.s32 $0x80, s14  }
.LBB1_4:
0x34: {  	p2 =	sne.s32 s24, $0x380;
	v8 =	vld [tilespmem:s22+$0xFFFFFFD0];
	s25 =	sand.u32 $0x80, s25;
	s26 =	sadd.s32 s26, s16;
	[tilespmem:s23+$0x0] =	vst v6  }
0x35: {  	s26 =	sadd.s32 s25, s26;
	v6 =	vld [tilespmem:s22+$0x430];
	[tilespmem:s23+$0x10] =	vst v5;
	s25 =	smov.u32 s24  }
0x36: {  	v5 =	vld.idx.msk [tilespmem:v0+s26+$0x400 ss:$0x1], $0xffff;
	[tilespmem:s23+$0x20] =	vst v3  }
0x37: {  	v3 =	vld [tilespmem:s22+$0xFFFFFFE0];
	[tilespmem:s23+$0x30] =	vst v4  }
0x38: {  	v4 =	vld [tilespmem:s22+$0xFFFFFFF0];
	[tilespmem:s23+$0xFFFFFBF0] =	vst v7  }
0x39: {  	v7 =	vld [tilespmem:s22+$0x0];
	[tilespmem:s23+$0x40] =	vst v1  }
0x3a: {  	v1 =	vld [tilespmem:s22+$0x10];
	[tilespmem:s23+$0x50] =	vst v2;
	s23 =	sadd.s32 $0x800, s23  }
0x3b: {  	s21 =	sadd.s32 $0x800, s21;
	v2 =	vld [tilespmem:s22+$0x20];
	[tilespmem:s23+$0x60] =	vst v6  }
0x3c: {  	v9 =	vld [tilespmem:s22+$0x30];
	[tilespmem:s21+$0x0] =	vst v5  }
0x3d: {  	[tilespmem:s23+$0xFFFFFC00] =	vst v8;
	v6 =	vld [tilespmem:s22+$0x3D0]  }
0x3e: {  	[tilespmem:s23+$0xFFFFFC10] =	vst v3;
	v5 =	vld [tilespmem:s22+$0x3E0]  }
.Ltmp3:
0x3f: {  	[tilespmem:s23+$0xFFFFFC20] =	vst v4;
	v3 =	vld [tilespmem:s22+$0x3F0];
	(pc) =	sbr.rel @p2 .LBB1_4-.Ltmp3, $4  }
0x40: {  	[tilespmem:s23+$0xFFFFFC30] =	vst v7;
	v4 =	vld [tilespmem:s22+$0x400]  }
0x41: {  	[tilespmem:s23+$0xFFFFFC40] =	vst v1;
	v1 =	vld [tilespmem:s22+$0x410]  }
0x42: {  	[tilespmem:s23+$0xFFFFFC50] =	vst v2;
	v2 =	vld [tilespmem:s22+$0x420]  }
0x43: {  	s24 =	sadd.s32 $0x80, s24;
	s26 =	sand.u32 $0x300, s25;
	v7 =	vld [tilespmem:s22+$0xFFFFFFC0];
	[tilespmem:s23+$0xFFFFFC60] =	vst v9;
	s22 =	sadd.s32 $0x80, s22  }
0x44: {  	[tilespmem:s23+$0x0] =	vst v6  }
0x45: {  	[tilespmem:s23+$0x10] =	vst v5  }
0x46: {  	v49 =	vld [tilespmem:s22+$0x430];
	[tilespmem:s23+$0x20] =	vst v3  }
0x47: {  	v50 =	vld [tilespmem:s22+$0xFFFFFFD0];
	[tilespmem:s23+$0x30] =	vst v4  }
0x48: {  	v51 =	vld [tilespmem:s22+$0xFFFFFFE0];
	[tilespmem:s23+$0x40] =	vst v1  }
0x49: {  	v52 =	vld [tilespmem:s22+$0xFFFFFFF0];
	[tilespmem:s23+$0x50] =	vst v2  }
0x4a: {  	s31 =	sadd.s32 $0x800, s23;
	v53 =	vld [tilespmem:s22+$0x0];
	[tilespmem:s23+$0xFFFFFBF0] =	vst v7  }
0x4b: {  	v54 =	vld [tilespmem:s22+$0x10];
	[tilespmem:s31+$0x60] =	vst v49  }
0x4c: {  	v55 =	vld [tilespmem:s22+$0x20];
	[tilespmem:s31+$0xFFFFFC00] =	vst v50  }
0x4d: {  	v56 =	vld [tilespmem:s22+$0x30];
	[tilespmem:s31+$0xFFFFFC10] =	vst v51  }
0x4e: {  	v57 =	vld [tilespmem:s22+$0x3D0];
	[tilespmem:s31+$0xFFFFFC20] =	vst v52  }
0x4f: {  	v58 =	vld [tilespmem:s22+$0x3E0];
	[tilespmem:s31+$0xFFFFFC30] =	vst v53  }
0x50: {  	v59 =	vld [tilespmem:s22+$0x3F0];
	[tilespmem:s31+$0xFFFFFC40] =	vst v54  }
0x51: {  	v60 =	vld [tilespmem:s22+$0x400];
	[tilespmem:s31+$0xFFFFFC50] =	vst v55  }
0x52: {  	v61 =	vld [tilespmem:s22+$0xFFFFFFC0];
	[tilespmem:s31+$0xFFFFFC60] =	vst v56  }
0x53: {  	s24 =	sand.u32 $0x80, s25;
	s30 =	sadd.s32 s26, s16;
	v62 =	vld [tilespmem:s22+$0x410];
	[tilespmem:s31+$0x0] =	vst v57  }
0x54: {  	v63 =	vld [tilespmem:s22+$0x420];
	s20 =	sadd.s32 $0x1, s20;
	s24 =	sadd.s32 s24, s30;
	[tilespmem:s31+$0x10] =	vst v58  }
0x55: {  	p2 =	sne.s32 s20, $0x8;
	v0 =	vld.idx.msk [tilespmem:v0+s24+$0x400 ss:$0x1], $0xffff;
	[tilespmem:s31+$0x20] =	vst v59  }
.Ltmp4:
0x56: {  	[tilespmem:s31+$0x30] =	vst v60;
	(pc) =	sbr.rel @p2 .LBB1_3-.Ltmp4, $4  }
0x57: {  	[tilespmem:s31+$0xFFFFFBF0] =	vst v61  }
0x58: {  	[tilespmem:s31+$0x40] =	vst v62  }
0x59: {  	s21 =	sadd.s32 $0x800, s21;
	s14 =	sadd.s32 $0x800, s14;
	[tilespmem:s31+$0x50] =	vst v63  }
0x5a: {  	s19 =	sadd.s32 $0x80, s19;
	p1 =	por !p1, !p1;
	s15 =	sadd.s32 $0x80, s15;
	[tilespmem:s21+$0x0] =	vst v0  }
0x5b: {  	s14 =	sshll.u32 s11, $0x8;
	s31 =	sshll.u32 s11, $0x7  }
.Ltmp5:
0x5c: {  	s14 =	sand.u32 $0x7800, s14;
	s11 =	sand.u32 $0x380, s31;
	(pc) =	sbr.rel .LBB1_7-.Ltmp5, $4  }
0x5d: {  	s12 =	sshll.u32 s12, $0xF;
	s11 =	sor.u32 s11, s14  }
0x5e: {  	s12 =	sadd.s32 s3, s12;
	s11 =	sshrl.u32 s11, $0x3  }
0x5f: {  	s11 =	sadd.s32 s11, s12  }
0x60: {  	[hbm4b:s11+s6] =	stream.strided.scatter [tilespmem:s13], [sflag:$0x2], $0x4000, s7, s6, $0x38;
	[tilespmem:$0x10000] =	vst v63  }
.LBB1_8:
0x61: {  	_ =	sfence.sel $0x180000  }
0x62: {  	s2 =	simm.s32 $0x1;
	[bflag:$0x0] =	sbarrier.arrive $0xFFFF  }
0x63: {  	s31 =	simm.s32 $0x2;
	[sflag:s2] =	ssyncpa.u1 $0x1  }
0x64: {  	[sflag:s31] =	ssyncpa.u1 $0x1  }
0x65: {  	p0 =	sne.s32 s1, $0x0;
	_ =	strace $0x90000047  }
0x66: {  	s0 =	sadd.s32 @!p0 $0x100000, s0;
	[bflag:$0x2] =	sbarrier.arrive $0xFFFF  }
0x67: {  	[sflag:s0] =	ssyncadd.tile.s32 @!p0 $0x1;
	_ =	shalt  }
.Lfunc_end1:
_tile_overlayer_lowered:
.L_overlay_start_2:
0x68: {  	(tag) =	ssettag $0x2  }
0x69: {  	s0 =	rddreg [dreg:$0x0];
	s2 =	stileid.u32  }
0x6a: {  	s1 =	rddreg [dreg:$0x1];
	p0 =	sne.s32 s2, $0x0  }
0x6b: {  	s3 =	rddreg [dreg:$0x2];
	[bflag:$0x3] =	sbarrier.arrive $0xFFFF;
	s2 =	simm.s32 @!p0 $0x1C01  }
0x6c: {  	[timem:s3], [sflag:s2] =	dma.local @!p0 [hbm:s0], s1  }
0x6d: {  	s0 =	simm.s32 @!p0 $0x1  }
0x6e: {  	_ =	swait.ge @!p0 [sflag:s0], s1  }
0x6f: {  	s1 =	ssub.s32 @!p0 $0x0, s1;
	[sflag:s0] =	ssyncset.done @!p0 $0x0  }
0x70: {  	[sflag:s0] =	ssyncadd.s32 @!p0 s1  }
0x71: {  	[bflag:$0x3] =	sbarrier.arrive $0xFFFF  }
0x72: {  	_ =	shalt  }

</sc_bundles>
